<compile_context>
chip_gen: v7x
topology: tpu7x:2x2x1
jax: 0.10.2.dev20260603
libtpu: 0.0.44.dev20260713+nightly
codegen_flags: <defaults>
</compile_context>

<pallas_src>
import functools

import jax
import jax.numpy as jnp
from jax import lax
from jax.experimental import pallas as pl
from jax.experimental.pallas import tpu as pltpu
from jax.experimental.pallas import tpu_sc as plsc

_N_ROWS = 8
_N_COLS = 32
_TOP_M = 4
_L = 16
_NEG_INF = float("-inf")


def _first_onehot(eq, iota):
    return iota == plsc.all_reduce_ffs(eq)


def _router_body(scores_hbm, out_hbm, row_v, out_v):
    c = lax.axis_index("c")
    s = lax.axis_index("s")
    del c

    @pl.when(s < _N_ROWS)
    def _():
        pltpu.sync_copy(scores_hbm.at[s], row_v)
        a = row_v[pl.ds(0, _L)]
        b = row_v[pl.ds(_L, _L)]

        iota = lax.iota(jnp.int32, _L)
        wa, wb = a, b
        mmax = None
        for i in range(_TOP_M):
            ra = jnp.max(wa)
            rb = jnp.max(wb)
            m = jnp.maximum(ra, rb)
            if i == 0:
                mmax = m
            pick_a = jnp.broadcast_to(ra >= rb, (_L,))
            onehot_a = _first_onehot(wa == m, iota) & pick_a
            onehot_b = _first_onehot(wb == m, iota) & jnp.logical_not(pick_a)
            wa = jnp.where(onehot_a, _NEG_INF, wa)
            wb = jnp.where(onehot_b, _NEG_INF, wb)

        ea = jnp.where(wa == _NEG_INF, jnp.exp(a - mmax), 0.0)
        eb = jnp.where(wb == _NEG_INF, jnp.exp(b - mmax), 0.0)
        tot_v = jnp.broadcast_to(jnp.sum(ea) + jnp.sum(eb), (_L,))
        out_v[pl.ds(0, _L)] = ea / tot_v
        out_v[pl.ds(_L, _L)] = eb / tot_v
        pltpu.sync_copy(out_v, out_hbm.at[s])


@functools.lru_cache(maxsize=None)
def _build_router_sc():
    return pl.kernel(
        _router_body,
        out_type=jax.ShapeDtypeStruct((_N_ROWS, _N_COLS), jnp.float32),
        mesh=plsc.VectorSubcoreMesh(
            core_axis_name="c", subcore_axis_name="s", num_cores=1
        ),
        scratch_types=[
            pltpu.VMEM((_N_COLS,), jnp.float32),
            pltpu.VMEM((_N_COLS,), jnp.float32),
        ],
        compiler_params=pltpu.CompilerParams(needs_layout_passes=False),
    )


@jax.jit
def kernel(_hidden_states, router_scores):
    return _build_router_sc()(router_scores)

# --- scband reference (transcript-rebuilt; emitter-appended) ---
"""Pipeline reference for scband-layer-router-21045339750452 (READ-ONLY COPY).

The authoritative reference and input builder live on the scoring server;
editing this copy changes nothing except your own understanding.
"""

import jax, jax.numpy as jnp
import numpy as np

NUM_LAYERS = 32
N_HORIZONS = 8
TOP_M = 4
TEMPERATURE = 1.0


def setup_inputs(seed: int = 0) -> dict:
    key = jax.random.key(seed)
    k1, k2 = jax.random.split(key)
    _hidden_states = jax.random.normal(k1, (4, 2048, 2048), dtype=jnp.float32)
    # nn.init.normal_(scores, mean=0.0, std=0.02)
    router_scores = jax.random.normal(k2, (N_HORIZONS, NUM_LAYERS), dtype=jnp.float32) * 0.02
    return {"_hidden_states": _hidden_states, "router_scores": router_scores}


def reference(_hidden_states, router_scores):
    # scores = router_scores / max(temperature, 1e-6)
    scores = router_scores / max(TEMPERATURE, 1e-06)
    k = min(TOP_M, NUM_LAYERS)
    # sparse_topm: topk then scatter into -inf logits, then softmax
    topk_scores, topk_idx = jax.lax.top_k(scores, k)
    sparse_logits = jnp.full_like(scores, -jnp.inf)
    rows = jnp.arange(scores.shape[0])[:, None]
    sparse_logits = sparse_logits.at[rows, topk_idx].set(topk_scores)
    weights = jax.nn.softmax(sparse_logits, axis=-1)
    return weights

if __name__ == "__main__":
    import jax
    _d = setup_inputs()
    print(jax.jit(kernel)(*tuple(_d.values())))

</pallas_src>

<mosaic_0001>
#map = affine_map<(d0, d1) -> (0, 0)>
module attributes {stable_mosaic.version = 14 : i64} {
  func.func @_router_body(%arg0: i32, %arg1: i32, %arg2: memref<8x32xf32, #tpu.memory_space<hbm>>, %arg3: memref<8x32xf32, #tpu.memory_space<hbm>>, %arg4: memref<32xf32, #tpu.memory_space<vmem>>, %arg5: memref<32xf32, #tpu.memory_space<vmem>>) attributes {dimension_semantics = [#tpu.dimension_semantics<core_parallel>, #tpu.dimension_semantics<subcore_parallel>], iteration_bounds = array<i64: 1, 16>, scalar_prefetch = 0 : i64, scratch_operands = 2 : i64, tpu.core_type = #tpu.core_type<sc_vector_subcore>, window_params = [{transform_indices = #map}, {transform_indices = #map}]} {
    %lt3A = arith.constant 8 : i32
    %lt3A_0 = arith.cmpi slt, %arg1, %lt3A : i32
    %convert_element_type3A = arith.extui %lt3A_0 : i1 to i32
    %cond3A = arith.constant 0 : i32
    %cond3A_1 = arith.cmpi ne, %convert_element_type3A, %cond3A : i32
    scf.if %cond3A_1 {
      "tpu.region"() ({
        %run_scoped3A = tpu.sem_alloc : memref<!tpu.dma_semaphore, #tpu.memory_space<semaphore_mem>>
        %dma_start3A = arith.constant 0 : i32
        %dma_start3A_139 = tpu.memref_slice %arg2[%arg1, %dma_start3A] : memref<8x32xf32, #tpu.memory_space<hbm>> -> memref<1x32xf32, #tpu.memory_space<hbm>>
        %dma_start3A_140 = tpu.memref_squeeze %dma_start3A_139 : memref<1x32xf32, #tpu.memory_space<hbm>> -> memref<32xf32, #tpu.memory_space<hbm>>
        %dma_start3A_141 = arith.constant 0 : i32
        %dma_start3A_142 = tpu.memref_slice %arg2[%arg1, %dma_start3A_141] : memref<8x32xf32, #tpu.memory_space<hbm>> -> memref<1x32xf32, #tpu.memory_space<hbm>>
        %dma_start3A_143 = tpu.memref_squeeze %dma_start3A_142 : memref<1x32xf32, #tpu.memory_space<hbm>> -> memref<32xf32, #tpu.memory_space<hbm>>
        tpu.enqueue_dma source(%dma_start3A_143 : memref<32xf32, #tpu.memory_space<hbm>>) target(%arg4 : memref<32xf32, #tpu.memory_space<vmem>>) target_semaphore(%run_scoped3A : memref<!tpu.dma_semaphore, #tpu.memory_space<semaphore_mem>>)
        %dma_wait3A = arith.constant 0 : i32
        %dma_wait3A_144 = tpu.memref_slice %arg2[%arg1, %dma_wait3A] : memref<8x32xf32, #tpu.memory_space<hbm>> -> memref<1x32xf32, #tpu.memory_space<hbm>>
        %dma_wait3A_145 = tpu.memref_squeeze %dma_wait3A_144 : memref<1x32xf32, #tpu.memory_space<hbm>> -> memref<32xf32, #tpu.memory_space<hbm>>
        %dma_wait3A_146 = arith.constant 0 : i32
        %dma_wait3A_147 = tpu.memref_slice %arg2[%arg1, %dma_wait3A_146] : memref<8x32xf32, #tpu.memory_space<hbm>> -> memref<1x32xf32, #tpu.memory_space<hbm>>
        %dma_wait3A_148 = tpu.memref_squeeze %dma_wait3A_147 : memref<1x32xf32, #tpu.memory_space<hbm>> -> memref<32xf32, #tpu.memory_space<hbm>>
        tpu.wait_dma2 semaphore(%run_scoped3A : memref<!tpu.dma_semaphore, #tpu.memory_space<semaphore_mem>>) src(%dma_wait3A_148 : memref<32xf32, #tpu.memory_space<hbm>>) dst(%arg4 : memref<32xf32, #tpu.memory_space<vmem>>)
        tpu.yield
      }) : () -> ()
      %get3A = arith.constant 0 : index
      %get3A_2 = tpu.vector_load %arg4[%get3A] {strides = array<i32>} : memref<32xf32, #tpu.memory_space<vmem>>, vector<16xf32>,
      %get3A_3 = arith.constant 16 : index
      %get3A_4 = tpu.vector_load %arg4[%get3A_3] {strides = array<i32>} : memref<32xf32, #tpu.memory_space<vmem>>, vector<16xf32>,
      %iota3A = tpu.iota {dimensions = array<i32: 0>} : vector<16xi32>
      %reduce_max3A = arith.constant true
      %reduce_max3A_5 = vector.broadcast %reduce_max3A : i1 to vector<16xi1>
      %reduce_max3A_6 = tpu.scan <max>, %get3A_2 masked %reduce_max3A_5 : vector<16xf32>, vector<16xi1> -> vector<16xf32>
      %reduce_max3A_7 = vector.extract %reduce_max3A_6[15] : f32 from vector<16xf32>
      %reduce_max3A_8 = arith.constant true
      %reduce_max3A_9 = vector.broadcast %reduce_max3A_8 : i1 to vector<16xi1>
      %reduce_max3A_10 = tpu.scan <max>, %get3A_4 masked %reduce_max3A_9 : vector<16xf32>, vector<16xi1> -> vector<16xf32>
      %reduce_max3A_11 = vector.extract %reduce_max3A_10[15] : f32 from vector<16xf32>
      %max3A = arith.maximumf %reduce_max3A_7, %reduce_max3A_11 : f32
      %ge3A = arith.cmpf oge, %reduce_max3A_7, %reduce_max3A_11 : f32
      %broadcast_in_dim3A = vector.broadcast %ge3A : i1 to vector<16xi1>
      %eq3A = vector.broadcast %max3A : f32 to vector<16xf32>
      %eq3A_12 = arith.cmpf oeq, %get3A_2, %eq3A : vector<16xf32>
      %all_reduce_ffs3A = tpu.all_reduce %eq3A_12 {dim = 0 : i64, kind = #tpu.reduction_kind<find_first_set>} : vector<16xi1> -> vector<16xi32>
      %eq3A_13 = arith.cmpi eq, %iota3A, %all_reduce_ffs3A : vector<16xi32>
      %and3A = arith.andi %eq3A_13, %broadcast_in_dim3A : vector<16xi1>
      %eq3A_14 = vector.broadcast %max3A : f32 to vector<16xf32>
      %eq3A_15 = arith.cmpf oeq, %get3A_4, %eq3A_14 : vector<16xf32>
      %all_reduce_ffs3A_16 = tpu.all_reduce %eq3A_15 {dim = 0 : i64, kind = #tpu.reduction_kind<find_first_set>} : vector<16xi1> -> vector<16xi32>
      %eq3A_17 = arith.cmpi eq, %iota3A, %all_reduce_ffs3A_16 : vector<16xi32>
      %not3A = arith.constant dense<true> : vector<16xi1>
      %not3A_18 = arith.xori %broadcast_in_dim3A, %not3A : vector<16xi1>
      %and3A_19 = arith.andi %eq3A_17, %not3A_18 : vector<16xi1>
      %jit3A = arith.constant 0xFF800000 : f32
      %broadcast_in_dim3A_20 = vector.broadcast %jit3A : f32 to vector<16xf32>
      %select_n3A = arith.select %and3A, %broadcast_in_dim3A_20, %get3A_2 : vector<16xi1>, vector<16xf32>
      %jit3A_21 = arith.constant 0xFF800000 : f32
      %broadcast_in_dim3A_22 = vector.broadcast %jit3A_21 : f32 to vector<16xf32>
      %select_n3A_23 = arith.select %and3A_19, %broadcast_in_dim3A_22, %get3A_4 : vector<16xi1>, vector<16xf32>
      %reduce_max3A_24 = arith.constant true
      %reduce_max3A_25 = vector.broadcast %reduce_max3A_24 : i1 to vector<16xi1>
      %reduce_max3A_26 = tpu.scan <max>, %select_n3A masked %reduce_max3A_25 : vector<16xf32>, vector<16xi1> -> vector<16xf32>
      %reduce_max3A_27 = vector.extract %reduce_max3A_26[15] : f32 from vector<16xf32>
      %reduce_max3A_28 = arith.constant true
      %reduce_max3A_29 = vector.broadcast %reduce_max3A_28 : i1 to vector<16xi1>
      %reduce_max3A_30 = tpu.scan <max>, %select_n3A_23 masked %reduce_max3A_29 : vector<16xf32>, vector<16xi1> -> vector<16xf32>
      %reduce_max3A_31 = vector.extract %reduce_max3A_30[15] : f32 from vector<16xf32>
      %max3A_32 = arith.maximumf %reduce_max3A_27, %reduce_max3A_31 : f32
      %ge3A_33 = arith.cmpf oge, %reduce_max3A_27, %reduce_max3A_31 : f32
      %broadcast_in_dim3A_34 = vector.broadcast %ge3A_33 : i1 to vector<16xi1>
      %eq3A_35 = vector.broadcast %max3A_32 : f32 to vector<16xf32>
      %eq3A_36 = arith.cmpf oeq, %select_n3A, %eq3A_35 : vector<16xf32>
      %all_reduce_ffs3A_37 = tpu.all_reduce %eq3A_36 {dim = 0 : i64, kind = #tpu.reduction_kind<find_first_set>} : vector<16xi1> -> vector<16xi32>
      %eq3A_38 = arith.cmpi eq, %iota3A, %all_reduce_ffs3A_37 : vector<16xi32>
      %and3A_39 = arith.andi %eq3A_38, %broadcast_in_dim3A_34 : vector<16xi1>
      %eq3A_40 = vector.broadcast %max3A_32 : f32 to vector<16xf32>
      %eq3A_41 = arith.cmpf oeq, %select_n3A_23, %eq3A_40 : vector<16xf32>
      %all_reduce_ffs3A_42 = tpu.all_reduce %eq3A_41 {dim = 0 : i64, kind = #tpu.reduction_kind<find_first_set>} : vector<16xi1> -> vector<16xi32>
      %eq3A_43 = arith.cmpi eq, %iota3A, %all_reduce_ffs3A_42 : vector<16xi32>
      %not3A_44 = arith.constant dense<true> : vector<16xi1>
      %not3A_45 = arith.xori %broadcast_in_dim3A_34, %not3A_44 : vector<16xi1>
      %and3A_46 = arith.andi %eq3A_43, %not3A_45 : vector<16xi1>
      %jit3A_47 = arith.constant 0xFF800000 : f32
      %broadcast_in_dim3A_48 = vector.broadcast %jit3A_47 : f32 to vector<16xf32>
      %select_n3A_49 = arith.select %and3A_39, %broadcast_in_dim3A_48, %select_n3A : vector<16xi1>, vector<16xf32>
      %jit3A_50 = arith.constant 0xFF800000 : f32
      %broadcast_in_dim3A_51 = vector.broadcast %jit3A_50 : f32 to vector<16xf32>
      %select_n3A_52 = arith.select %and3A_46, %broadcast_in_dim3A_51, %select_n3A_23 : vector<16xi1>, vector<16xf32>
      %reduce_max3A_53 = arith.constant true
      %reduce_max3A_54 = vector.broadcast %reduce_max3A_53 : i1 to vector<16xi1>
      %reduce_max3A_55 = tpu.scan <max>, %select_n3A_49 masked %reduce_max3A_54 : vector<16xf32>, vector<16xi1> -> vector<16xf32>
      %reduce_max3A_56 = vector.extract %reduce_max3A_55[15] : f32 from vector<16xf32>
      %reduce_max3A_57 = arith.constant true
      %reduce_max3A_58 = vector.broadcast %reduce_max3A_57 : i1 to vector<16xi1>
      %reduce_max3A_59 = tpu.scan <max>, %select_n3A_52 masked %reduce_max3A_58 : vector<16xf32>, vector<16xi1> -> vector<16xf32>
      %reduce_max3A_60 = vector.extract %reduce_max3A_59[15] : f32 from vector<16xf32>
      %max3A_61 = arith.maximumf %reduce_max3A_56, %reduce_max3A_60 : f32
      %ge3A_62 = arith.cmpf oge, %reduce_max3A_56, %reduce_max3A_60 : f32
      %broadcast_in_dim3A_63 = vector.broadcast %ge3A_62 : i1 to vector<16xi1>
      %eq3A_64 = vector.broadcast %max3A_61 : f32 to vector<16xf32>
      %eq3A_65 = arith.cmpf oeq, %select_n3A_49, %eq3A_64 : vector<16xf32>
      %all_reduce_ffs3A_66 = tpu.all_reduce %eq3A_65 {dim = 0 : i64, kind = #tpu.reduction_kind<find_first_set>} : vector<16xi1> -> vector<16xi32>
      %eq3A_67 = arith.cmpi eq, %iota3A, %all_reduce_ffs3A_66 : vector<16xi32>
      %and3A_68 = arith.andi %eq3A_67, %broadcast_in_dim3A_63 : vector<16xi1>
      %eq3A_69 = vector.broadcast %max3A_61 : f32 to vector<16xf32>
      %eq3A_70 = arith.cmpf oeq, %select_n3A_52, %eq3A_69 : vector<16xf32>
      %all_reduce_ffs3A_71 = tpu.all_reduce %eq3A_70 {dim = 0 : i64, kind = #tpu.reduction_kind<find_first_set>} : vector<16xi1> -> vector<16xi32>
      %eq3A_72 = arith.cmpi eq, %iota3A, %all_reduce_ffs3A_71 : vector<16xi32>
      %not3A_73 = arith.constant dense<true> : vector<16xi1>
      %not3A_74 = arith.xori %broadcast_in_dim3A_63, %not3A_73 : vector<16xi1>
      %and3A_75 = arith.andi %eq3A_72, %not3A_74 : vector<16xi1>
      %jit3A_76 = arith.constant 0xFF800000 : f32
      %broadcast_in_dim3A_77 = vector.broadcast %jit3A_76 : f32 to vector<16xf32>
      %select_n3A_78 = arith.select %and3A_68, %broadcast_in_dim3A_77, %select_n3A_49 : vector<16xi1>, vector<16xf32>
      %jit3A_79 = arith.constant 0xFF800000 : f32
      %broadcast_in_dim3A_80 = vector.broadcast %jit3A_79 : f32 to vector<16xf32>
      %select_n3A_81 = arith.select %and3A_75, %broadcast_in_dim3A_80, %select_n3A_52 : vector<16xi1>, vector<16xf32>
      %reduce_max3A_82 = arith.constant true
      %reduce_max3A_83 = vector.broadcast %reduce_max3A_82 : i1 to vector<16xi1>
      %reduce_max3A_84 = tpu.scan <max>, %select_n3A_78 masked %reduce_max3A_83 : vector<16xf32>, vector<16xi1> -> vector<16xf32>
      %reduce_max3A_85 = vector.extract %reduce_max3A_84[15] : f32 from vector<16xf32>
      %reduce_max3A_86 = arith.constant true
      %reduce_max3A_87 = vector.broadcast %reduce_max3A_86 : i1 to vector<16xi1>
      %reduce_max3A_88 = tpu.scan <max>, %select_n3A_81 masked %reduce_max3A_87 : vector<16xf32>, vector<16xi1> -> vector<16xf32>
      %reduce_max3A_89 = vector.extract %reduce_max3A_88[15] : f32 from vector<16xf32>
      %max3A_90 = arith.maximumf %reduce_max3A_85, %reduce_max3A_89 : f32
      %ge3A_91 = arith.cmpf oge, %reduce_max3A_85, %reduce_max3A_89 : f32
      %broadcast_in_dim3A_92 = vector.broadcast %ge3A_91 : i1 to vector<16xi1>
      %eq3A_93 = vector.broadcast %max3A_90 : f32 to vector<16xf32>
      %eq3A_94 = arith.cmpf oeq, %select_n3A_78, %eq3A_93 : vector<16xf32>
      %all_reduce_ffs3A_95 = tpu.all_reduce %eq3A_94 {dim = 0 : i64, kind = #tpu.reduction_kind<find_first_set>} : vector<16xi1> -> vector<16xi32>
      %eq3A_96 = arith.cmpi eq, %iota3A, %all_reduce_ffs3A_95 : vector<16xi32>
      %and3A_97 = arith.andi %eq3A_96, %broadcast_in_dim3A_92 : vector<16xi1>
      %eq3A_98 = vector.broadcast %max3A_90 : f32 to vector<16xf32>
      %eq3A_99 = arith.cmpf oeq, %select_n3A_81, %eq3A_98 : vector<16xf32>
      %all_reduce_ffs3A_100 = tpu.all_reduce %eq3A_99 {dim = 0 : i64, kind = #tpu.reduction_kind<find_first_set>} : vector<16xi1> -> vector<16xi32>
      %eq3A_101 = arith.cmpi eq, %iota3A, %all_reduce_ffs3A_100 : vector<16xi32>
      %not3A_102 = arith.constant dense<true> : vector<16xi1>
      %not3A_103 = arith.xori %broadcast_in_dim3A_92, %not3A_102 : vector<16xi1>
      %and3A_104 = arith.andi %eq3A_101, %not3A_103 : vector<16xi1>
      %jit3A_105 = arith.constant 0xFF800000 : f32
      %broadcast_in_dim3A_106 = vector.broadcast %jit3A_105 : f32 to vector<16xf32>
      %select_n3A_107 = arith.select %and3A_97, %broadcast_in_dim3A_106, %select_n3A_78 : vector<16xi1>, vector<16xf32>
      %jit3A_108 = arith.constant 0xFF800000 : f32
      %broadcast_in_dim3A_109 = vector.broadcast %jit3A_108 : f32 to vector<16xf32>
      %select_n3A_110 = arith.select %and3A_104, %broadcast_in_dim3A_109, %select_n3A_81 : vector<16xi1>, vector<16xf32>
      %eq3A_111 = arith.constant 0xFF800000 : f32
      %eq3A_112 = vector.broadcast %eq3A_111 : f32 to vector<16xf32>
      %eq3A_113 = arith.cmpf oeq, %select_n3A_107, %eq3A_112 : vector<16xf32>
      %sub3A = vector.broadcast %max3A : f32 to vector<16xf32>
      %sub3A_114 = arith.subf %get3A_2, %sub3A : vector<16xf32>
      %exp3A = math.exp %sub3A_114 : vector<16xf32>
      %jit3A_115 = arith.constant 0.000000e+00 : f32
      %broadcast_in_dim3A_116 = vector.broadcast %jit3A_115 : f32 to vector<16xf32>
      %select_n3A_117 = arith.select %eq3A_113, %exp3A, %broadcast_in_dim3A_116 : vector<16xi1>, vector<16xf32>
      %eq3A_118 = arith.constant 0xFF800000 : f32
      %eq3A_119 = vector.broadcast %eq3A_118 : f32 to vector<16xf32>
      %eq3A_120 = arith.cmpf oeq, %select_n3A_110, %eq3A_119 : vector<16xf32>
      %sub3A_121 = vector.broadcast %max3A : f32 to vector<16xf32>
      %sub3A_122 = arith.subf %get3A_4, %sub3A_121 : vector<16xf32>
      %exp3A_123 = math.exp %sub3A_122 : vector<16xf32>
      %jit3A_124 = arith.constant 0.000000e+00 : f32
      %broadcast_in_dim3A_125 = vector.broadcast %jit3A_124 : f32 to vector<16xf32>
      %select_n3A_126 = arith.select %eq3A_120, %exp3A_123, %broadcast_in_dim3A_125 : vector<16xi1>, vector<16xf32>
      %reduce_sum3A = arith.constant true
      %reduce_sum3A_127 = vector.broadcast %reduce_sum3A : i1 to vector<16xi1>
      %reduce_sum3A_128 = tpu.scan <sum>, %select_n3A_117 masked %reduce_sum3A_127 : vector<16xf32>, vector<16xi1> -> vector<16xf32>
      %reduce_sum3A_129 = vector.extract %reduce_sum3A_128[15] : f32 from vector<16xf32>
      %reduce_sum3A_130 = arith.constant true
      %reduce_sum3A_131 = vector.broadcast %reduce_sum3A_130 : i1 to vector<16xi1>
      %reduce_sum3A_132 = tpu.scan <sum>, %select_n3A_126 masked %reduce_sum3A_131 : vector<16xf32>, vector<16xi1> -> vector<16xf32>
      %reduce_sum3A_133 = vector.extract %reduce_sum3A_132[15] : f32 from vector<16xf32>
      %add3A = arith.addf %reduce_sum3A_129, %reduce_sum3A_133 : f32
      %broadcast_in_dim3A_134 = vector.broadcast %add3A : f32 to vector<16xf32>
      %div3A = arith.divf %select_n3A_117, %broadcast_in_dim3A_134 : vector<16xf32>
      %swap3A = arith.constant 0 : index
      %swap3A_135 = tpu.vector_load %arg5[%swap3A] {strides = array<i32>} : memref<32xf32, #tpu.memory_space<vmem>>, vector<16xf32>,
      tpu.vector_store %arg5[%swap3A], %div3A {strides = array<i32>} : memref<32xf32, #tpu.memory_space<vmem>>, vector<16xf32>,
      %div3A_136 = arith.divf %select_n3A_126, %broadcast_in_dim3A_134 : vector<16xf32>
      %swap3A_137 = arith.constant 16 : index
      %swap3A_138 = tpu.vector_load %arg5[%swap3A_137] {strides = array<i32>} : memref<32xf32, #tpu.memory_space<vmem>>, vector<16xf32>,
      tpu.vector_store %arg5[%swap3A_137], %div3A_136 {strides = array<i32>} : memref<32xf32, #tpu.memory_space<vmem>>, vector<16xf32>,
      "tpu.region"() ({
        %run_scoped3A = tpu.sem_alloc : memref<!tpu.dma_semaphore, #tpu.memory_space<semaphore_mem>>
        %dma_start3A = arith.constant 0 : i32
        %dma_start3A_139 = tpu.memref_slice %arg3[%arg1, %dma_start3A] : memref<8x32xf32, #tpu.memory_space<hbm>> -> memref<1x32xf32, #tpu.memory_space<hbm>>
        %dma_start3A_140 = tpu.memref_squeeze %dma_start3A_139 : memref<1x32xf32, #tpu.memory_space<hbm>> -> memref<32xf32, #tpu.memory_space<hbm>>
        %dma_start3A_141 = arith.constant 0 : i32
        %dma_start3A_142 = tpu.memref_slice %arg3[%arg1, %dma_start3A_141] : memref<8x32xf32, #tpu.memory_space<hbm>> -> memref<1x32xf32, #tpu.memory_space<hbm>>
        %dma_start3A_143 = tpu.memref_squeeze %dma_start3A_142 : memref<1x32xf32, #tpu.memory_space<hbm>> -> memref<32xf32, #tpu.memory_space<hbm>>
        tpu.enqueue_dma source(%arg5 : memref<32xf32, #tpu.memory_space<vmem>>) target(%dma_start3A_143 : memref<32xf32, #tpu.memory_space<hbm>>) target_semaphore(%run_scoped3A : memref<!tpu.dma_semaphore, #tpu.memory_space<semaphore_mem>>)
        %dma_wait3A = arith.constant 0 : i32
        %dma_wait3A_144 = tpu.memref_slice %arg3[%arg1, %dma_wait3A] : memref<8x32xf32, #tpu.memory_space<hbm>> -> memref<1x32xf32, #tpu.memory_space<hbm>>
        %dma_wait3A_145 = tpu.memref_squeeze %dma_wait3A_144 : memref<1x32xf32, #tpu.memory_space<hbm>> -> memref<32xf32, #tpu.memory_space<hbm>>
        %dma_wait3A_146 = arith.constant 0 : i32
        %dma_wait3A_147 = tpu.memref_slice %arg3[%arg1, %dma_wait3A_146] : memref<8x32xf32, #tpu.memory_space<hbm>> -> memref<1x32xf32, #tpu.memory_space<hbm>>
        %dma_wait3A_148 = tpu.memref_squeeze %dma_wait3A_147 : memref<1x32xf32, #tpu.memory_space<hbm>> -> memref<32xf32, #tpu.memory_space<hbm>>
        tpu.wait_dma2 semaphore(%run_scoped3A : memref<!tpu.dma_semaphore, #tpu.memory_space<semaphore_mem>>) src(%arg5 : memref<32xf32, #tpu.memory_space<vmem>>) dst(%dma_wait3A_148 : memref<32xf32, #tpu.memory_space<hbm>>)
        tpu.yield
      }) : () -> ()
    } else {
    }
    return
  }
}

</mosaic_0001>

<sc_bundles>
// kernel: kernel.3.cloned.1.call-start
scs
__scs_entry_jumppad:
0x0: {  	(pc) =	sbr.rel $0x88, $3  }
0x1: {  	(tag) =	ssettag $0x0;
	lr =	simm.s32 $0x1  }
0x2: {  	[smem:$0x3FA0] =	sst lr;
	_ =	strace $0xD0000000  }
0x3: {  	_ = 	snop  }
0x4: {  	_ = 	snop  }
0x5: {  	_ = 	snop  }
0x6: {  	_ = 	snop  }
0x7: {  	_ = 	snop  }
__scs_overlays_trampoline_lowered:
0x8: {  	[smem:$0x3FAF] =	sst s0  }
0x9: {  	[smem:$0x3FB0] =	sst s1  }
0xa: {  	[smem:$0x3FB1] =	sst s2  }
0xb: {  	[smem:$0x3FB2] =	sst s3  }
0xc: {  	[smem:$0x3FB3] =	sst s4  }
0xd: {  	[smem:$0x3FB4] =	sst s5  }
0xe: {  	[smem:$0x3FB5] =	sst s6  }
0xf: {  	[smem:$0x3FB6] =	sst s7  }
0x10: {  	[smem:$0x3FB7] =	sst s8  }
0x11: {  	[smem:$0x3FB8] =	sst s9;
	s0 =	simm.s32 @!p0 $0x0  }
0x12: {  	s1 =	sld [smem:$0x3F9E];
	s0 =	simm.s32 @p0 $0x1  }
0x13: {  	[smem:$0x3FB9] =	sst s0;
	s0 =	simm.s32 @!p1 $0x0  }
0x14: {  	s2 =	sld [smem:$0x3F9D];
	s0 =	simm.s32 @p1 $0x1  }
0x15: {  	[smem:$0x3FBA] =	sst s0;
	s0 =	simm.s32 @!p2 $0x0  }
0x16: {  	s3 =	sld [smem:$0x3FDB];
	s0 =	simm.s32 @p2 $0x1  }
0x17: {  	s4 =	simm.s32 $0x1BF5;
	[smem:$0x3FBC] =	sst s0  }
0x18: {  	s0 =	sld [smem:$0x3F9F];
	_ =	swait.ge [sflag:s4], $0x0  }
0x19: {  	s7 =	sld [smem:$0x3FA0]  }
0x1a: {  	s8 =	sadd.s32 $0xFFFFE003, lr  }
0x1b: {  	s9 =	sadd.s32 $0xFFFFFEF7, lr;
	s5 =	simm.s32 $0xFFFFFFFF;
	p2 =	slt.u32 s8, $0xFFFFF086  }
0x1c: {  	p1 =	slt.u32 s9, $0xF7A;
	s5 =	simm.s32 @!p2 $0x0  }
0x1d: {  	s5 =	simm.s32 @p1 $0x1;
	p0 =	seq.s32 s7, s2  }
0x1e: {  	s7 =	smul.u32 @!p0 $0xF7A, s2;
	p2 =	seq.s32 @!p0 s5, $0x0  }
0x1f: {  	s9 =	smul.u32 $0xF7A, s1;
	s8 =	simm.s32 @!p0 $0x1BF5;
	p2 =	por !p2, p0  }
0x20: {  	[sflag:s8] =	ssyncset.s32 @!p0 $0xFFFFF086;
	s6 =	sadd.s32 @!p0 s3, s7;
	s7 =	simm.s32 @!p0 $0x108  }
0x21: {  	s3 =	sadd.s32 s3, s9;
	s6 =	sadd.s32 @!p0 $0x88, s6;
	s7 =	simm.s32 @p2 $0x1082  }
0x22: {  	[simem:s7], [sflag:s8] =	dma.local @!p0 [hbm:s6], $0xF7A  }
0x23: {  	s9 =	sor.u32 $0xD0000000, s2;
	s6 =	simm.s32 $0x108;
	_ =	swait.ge @!p0 [sflag:s8], $0x0  }
0x24: {  	s3 =	sadd.s32 $0x88, s3;
	s6 =	simm.s32 @!p1 $0x1082;
	[sflag:s4] =	ssyncset.s32 $0xFFFFF086  }
0x25: {  	[simem:s6], [sflag:s4] =	dma.local [hbm:s3], $0xF7A  }
0x26: {  	[smem:$0x3FA0] =	sst s1;
	(tag) =	ssettag s2;
	_ =	strace s9  }
0x27: {  	s1 =	sld [smem:$0x3FB0]  }
0x28: {  	s2 =	sld [smem:$0x3FB1]  }
0x29: {  	s4 =	sld [smem:$0x3FB3]  }
0x2a: {  	p0 =	seq.s32 s5, $0x0;
	s5 =	sld [smem:$0x3FB4]  }
0x2b: {  	s6 =	sld [smem:$0x3FB5]  }
0x2c: {  	s7 =	sld [smem:$0x3FB6]  }
0x2d: {  	s3 =	simm.s32 $0x108;
	s8 =	sld [smem:$0x3FB7]  }
0x2e: {  	s3 =	simm.s32 @!p0 $0x1082;
	s9 =	sld [smem:$0x3FB8]  }
0x2f: {  	lr =	sadd.s32 s0, s3;
	s0 =	sld [smem:$0x3FAF]  }
0x30: {  	s3 =	sld [smem:$0x3FB2]  }
0x31: {  	[smem:$0x3FBB] =	sst s10  }
0x32: {  	s10 =	sld [smem:$0x3FB9];
	_ =	sdelay $0x3  }
0x33: {  	p0 =	seq.s32 s10, $0x1;
	s10 =	sld [smem:$0x3FBB];
	_ =	sdelay $0x3  }
0x34: {  	[smem:$0x3FBB] =	sst s10  }
0x35: {  	s10 =	sld [smem:$0x3FBA];
	_ =	sdelay $0x3  }
0x36: {  	p1 =	seq.s32 s10, $0x1;
	s10 =	sld [smem:$0x3FBB];
	_ =	sdelay $0x3  }
0x37: {  	[smem:$0x3FBB] =	sst s10  }
0x38: {  	s10 =	sld [smem:$0x3FBC]  }
0x39: {  	_ = 	snop;
	(pc) =	sbr.ind lr, $3  }
0x3a: {  	_ = 	snop  }
0x3b: {  	_ = 	snop  }
0x3c: {  	p2 =	seq.s32 s10, $0x1;
	s10 =	sld [smem:$0x3FBB]  }
0x3d: {  	_ =	shalt  }
0x3e: {  	_ =	shalt  }
0x3f: {  	_ =	shalt  }
0x40: {  	_ =	shalt  }
0x41: {  	_ =	shalt  }
0x42: {  	_ =	shalt  }
0x43: {  	_ =	shalt  }
0x44: {  	_ =	shalt  }
0x45: {  	_ =	shalt  }
0x46: {  	_ =	shalt  }
0x47: {  	_ =	shalt  }
0x48: {  	_ =	shalt  }
0x49: {  	_ =	shalt  }
0x4a: {  	_ =	shalt  }
0x4b: {  	_ =	shalt  }
0x4c: {  	_ =	shalt  }
0x4d: {  	_ =	shalt  }
0x4e: {  	_ =	shalt  }
0x4f: {  	_ =	shalt  }
0x50: {  	_ =	shalt  }
0x51: {  	_ =	shalt  }
0x52: {  	_ =	shalt  }
0x53: {  	_ =	shalt  }
0x54: {  	_ =	shalt  }
0x55: {  	_ =	shalt  }
0x56: {  	_ =	shalt  }
0x57: {  	_ =	shalt  }
0x58: {  	_ =	shalt  }
0x59: {  	_ =	shalt  }
0x5a: {  	_ =	shalt  }
0x5b: {  	_ =	shalt  }
0x5c: {  	_ =	shalt  }
0x5d: {  	_ =	shalt  }
0x5e: {  	_ =	shalt  }
0x5f: {  	_ =	shalt  }
0x60: {  	_ =	shalt  }
0x61: {  	_ =	shalt  }
0x62: {  	_ =	shalt  }
0x63: {  	_ =	shalt  }
0x64: {  	_ =	shalt  }
0x65: {  	_ =	shalt  }
0x66: {  	_ =	shalt  }
0x67: {  	_ =	shalt  }
0x68: {  	_ =	shalt  }
0x69: {  	_ =	shalt  }
0x6a: {  	_ =	shalt  }
0x6b: {  	_ =	shalt  }
0x6c: {  	_ =	shalt  }
0x6d: {  	_ =	shalt  }
0x6e: {  	_ =	shalt  }
0x6f: {  	_ =	shalt  }
0x70: {  	_ =	shalt  }
0x71: {  	_ =	shalt  }
0x72: {  	_ =	shalt  }
0x73: {  	_ =	shalt  }
0x74: {  	_ =	shalt  }
0x75: {  	_ =	shalt  }
0x76: {  	_ =	shalt  }
0x77: {  	_ =	shalt  }
0x78: {  	_ =	shalt  }
0x79: {  	_ =	shalt  }
0x7a: {  	_ =	shalt  }
0x7b: {  	_ =	shalt  }
0x7c: {  	_ =	shalt  }
0x7d: {  	_ =	shalt  }
0x7e: {  	_ =	shalt  }
0x7f: {  	_ =	shalt  }
0x80: {  	_ =	shalt  }
0x81: {  	_ =	shalt  }
0x82: {  	_ =	shalt  }
0x83: {  	_ =	shalt  }
0x84: {  	_ =	shalt  }
0x85: {  	_ =	shalt  }
0x86: {  	_ =	shalt  }
0x87: {  	_ =	shalt  }
.Lfunc_end0:
.L_simem_size_0:
called_computation_lowered:
.L_overlay_start_0:
0x88: {  	s0 =	sld [smem:$0x3FD9]  }
0x89: {  	s1 =	sld [smem:$0x3FFE];
	_ =	sdelay $0x3  }
0x8a: {  	s0 =	sadd.s32 s1, s0  }
0x8b: {  	[smem:$0x3FC7] =	sst s0  }
0x8c: {  	_ = 	snop  }
0x8d: {  	s0 =	sld [smem:$0x3FC9]  }
0x8e: {  	s17 =	sld [smem:$0x3FD0];
	(tm) =	ssettm $0x1  }
0x8f: {  	s2 =	sld [smem:$0x3FFB];
	_ =	sdelay $0x3  }
0x90: {  	_ =	strace s2  }
0x91: {  	s2 =	sld [smem:$0x3FFC];
	_ =	sdelay $0x3  }
0x92: {  	_ =	strace s2  }
0x93: {  	s2 =	sld [smem:$0x3FFD];
	_ =	sdelay $0x3  }
0x94: {  	_ =	strace s2  }
0x95: {  	_ =	strace $0x8FFFFFFF  }
0x96: {  	s18 =	sld [smem:$0x3FDB];
	_ =	sdelay $0x1  }
0x97: {  	s3 =	simm.s32 $_scs_section_size  }
0x98: {  	s4 =	simm.s32 $_size__tile_overlayer_lowered;
	s5 =	simm.s32 $_tile_overlayer_lowered  }
0x99: {  	s21 =	simm.s32 $0x1BFF;
	s20 =	sshll.u32 s5, $0x1;
	s2 =	sadd.s32 s3, s18  }
0x9a: {  	s6 =	simm.s32 $0x0;
	s19 =	sshll.u32 s4, $0x1;
	s4 =	sadd.s32 s20, s2  }
0x9b: {  	[timem:s6], [sflag:s21] =	dma.local [hbm:s4], s19  }
0x9c: {  	_ =	swait.ge [sflag:s21], s19  }
0x9d: {  	s3 =	ssub.s32 $0x0, s19;
	[sflag:s21] =	ssyncset.done $0x0  }
0x9e: {  	[sflag:s21] =	ssyncadd.s32 s3;
	_ =	sdelay $0x1  }
0x9f: {  	s22 =	simm.s32 $0x1B8B  }
0xa0: {  	_ =	swait.ge [sflag:s22], $0x1  }
0xa1: {  	[sflag:s22] =	ssyncset.done $0x0  }
0xa2: {  	s23 =	simm.s32 $0x1B8E;
	[sflag:s22] =	ssyncadd.s32 $0xFFFFFFFF  }
0xa3: {  	s24 =	simm.s32 $execute0_lowered;
	[smem:$0x3FD2] =	sst s23  }
0xa4: {  	s3 =	sshll.u32 s24, $0x1;
	_ =	strace $0x80000046;
	[dreg:$0x1] =	wrdreg $0xFFFFFFFF  }
0xa5: {  	s25 =	simm.s32 $_size_execute0_lowered;
	s2 =	sadd.s32 s2, s3;
	[dreg:$0x0] =	wrdreg $0x0  }
0xa6: {  	s3 =	sshll.u32 s25, $0x1;
	[dreg:$0x2] =	wrdreg s2  }
0xa7: {  	[dreg:$0x3] =	wrdreg s3  }
0xa8: {  	[dreg:$0x4] =	wrdreg $0xC0  }
0xa9: {  	_ =	task [dreg:s6], $0x5FFFF  }
0xaa: {  	[dreg:$0x1] =	wrdreg $0xFFFFFFFF  }
0xab: {  	[dreg:$0x0] =	wrdreg $0x60  }
0xac: {  	[dreg:$0x2] =	wrdreg s0  }
0xad: {  	[dreg:$0x3] =	wrdreg s17  }
0xae: {  	[dreg:$0x4] =	wrdreg $0x9  }
0xaf: {  	_ =	task.clear_ibuf [dreg:s6], $0x5FFFF;
	_ =	strace $0x90000046  }
0xb0: {  	s26 =	simm.s32 $0x9;
	_ =	strace $0x80000048  }
0xb1: {  	_ =	swait.ge [sflag:s26], $0x1  }
0xb2: {  	[sflag:s26] =	ssyncadd.s32 $0xFFFFFFFF  }
0xb3: {  	_ =	strace $0x90000048  }
0xb4: {  	_ =	sfence  }
0xb5: {  	s28 =	sld [smem:$0x0];
	_ =	sdelay $0x1  }
0xb6: {  	s29 =	srdreg.scid  }
0xb7: {  	s30 =	sshll.u32 s29, $0xD;
	s31 =	sshrl.u32 s29, $0x2  }
0xb8: {  	s1 =	sand.u32 $0x1, s29;
	s2 =	sand.u32 $0x4000, s30;
	s0 =	sadd.s32 s31, s28  }
0xb9: {  	s1 =	sor.u32 s2, s1;
	s0 =	sshll.u32 s0, $0x11  }
0xba: {  	s0 =	sor.u32 s0, s1  }
0xbb: {  	s0 =	sadd.s32 $0x8F2B, s0  }
0xbc: {  	[sflag:s0] =	ssyncadd.remote.s32 $0x1  }
0xbd: {  	_ =	sfence.sel $0xFFFF  }
0xbe: {  	[dreg:$0x0] =	wrdreg $0xFFFFFFFF;
	(pc) =	sbr.abs _section_cstart, $3  }
0xbf: {  	[dreg:$0x1] =	wrdreg $0xFFFFFFFF  }
0xc0: {  	_ =	task.clear_ibuf [dreg:s6], $0x2FFFF;
	_ =	strace $0x9FFFFFFF  }
0xc1: {  	(tm) =	ssettm $0x7FFFFFFF  }
tec
execute0_lowered:
.L_overlay_start_1:
0x0: {  	(tag) =	ssettag $0x1  }
0x1: {  	s1 =	stileid.u32  }
0x2: {  	p0 =	sgt.u32 s1, $0x7  }
.Ltmp0:
0x3: {  	_ = 	snop;
	(pc) =	sbr.rel @p0 .LBB2_2-.Ltmp0, $4  }
0x4: {  	s4 =	rddreg [dreg:$0x0]  }
0x5: {  	s3 =	rddreg [dreg:$0x1];
	s2 =	simm.s32 $0x0  }
0x6: {  	[smem:$0x7FF] =	sst s2  }
0x7: {  	s0 =	rddreg [dreg:$0x2];
	_ =	strace $0x80000047  }
0x8: {  	s5 =	sshll.u32 s1, $0x4  }
0x9: {  	s19 =	simm.s32 $0x1;
	s4 =	sadd.s32 s4, s5  }
0xa: {  	[tilespmem:s2], [sflag:$0x1] =	stream.linear.gather [hbm4b:s4+s2], $0x80, $0x38;
	[tilespmem:$0x100] =	vst v63  }
0xb: {  	_ =	swait.ge [sflag:s19], $0x80  }
0xc: {  	[sflag:s19] =	ssyncset.done $0x0  }
0xd: {  	[sflag:s19] =	ssyncadd.s32 $0xFFFFFF80  }
0xe: {  	v0 =	vld [tilespmem:$0x0]  }
0xf: {  	v1 =	vld [tilespmem:$0x10];
	_ =	sdelay $0x3  }
0x10: {  	(xrf0) =	vmax.scan.msk.f32 $0xffff, v0  }
0x11: {  	(xrf0) =	vmax.scan.msk.f32 $0xffff, v1;
	_ =	sdelay $0x4  }
0x12: {  	v2, _, _ =	vpop (xrf0)  }
0x13: {  	(v2sf) =	vpush v2, $0xF;
	v44, _, _ =	vpop (xrf0)  }
0x14: {  	(v2sf) =	vpush v44, $0xF;
	_ =	sdelay $0xd  }
0x15: {  	s7 =	spop (v2sf)  }
0x16: {  	s8 =	spop (v2sf)  }
0x17: {  	s6 =	smax.f32 s7, s8  }
0x18: {  	vm1 =	veq.f32 v0, s6  }
0x19: {  	vm0 =	vmxor vm0, vm0;
	p0 =	sge.f32 s7, s8;
	vm15 =	veq.f32 v1, s6;
	v45 =	vmctz.xlane vm1  }
0x1a: {  	v3 =	vlaneseq.u32;
	vm2 =	vmmov vm0;
	v4 =	vmctz.xlane vm15  }
0x1b: {  	vm2 =	vmneg @p0 vm2;
	vm4 =	veq.s32 v45, v3  }
0x1c: {  	vm3 =	vne.s32 v4, v3;
	vm1 =	vmand vm4, vm2  }
0x1d: {  	vm2 =	vmor vm3, vm2;
	v46 =	vsel vm1, $0xFF800000, v0  }
0x1e: {  	v47 =	vnsel vm2, $0xFF800000, v1;
	(xrf0) =	vmax.scan.msk.f32 $0xffff, v46  }
0x1f: {  	(xrf0) =	vmax.scan.msk.f32 $0xffff, v47;
	_ =	sdelay $0x4  }
0x20: {  	v5, _, _ =	vpop (xrf0)  }
0x21: {  	(v2sf) =	vpush v5, $0xF;
	v48, _, _ =	vpop (xrf0)  }
0x22: {  	(v2sf) =	vpush v48, $0xF;
	_ =	sdelay $0xd  }
0x23: {  	s20 =	spop (v2sf)  }
0x24: {  	s21 =	spop (v2sf)  }
0x25: {  	s9 =	smax.f32 s20, s21  }
0x26: {  	vm1 =	veq.f32 v46, s9  }
0x27: {  	p0 =	sge.f32 s20, s21;
	vm5 =	veq.f32 v47, s9;
	v49 =	vmctz.xlane vm1  }
0x28: {  	vm2 =	vmmov vm0;
	v6 =	vmctz.xlane vm5  }
0x29: {  	vm2 =	vmneg @p0 vm2;
	vm6 =	veq.s32 v49, v3  }
0x2a: {  	vm7 =	vne.s32 v6, v3;
	vm1 =	vmand vm6, vm2  }
0x2b: {  	vm2 =	vmor vm7, vm2;
	v2 =	vsel vm1, $0xFF800000, v46  }
0x2c: {  	v4 =	vnsel vm2, $0xFF800000, v47;
	(xrf0) =	vmax.scan.msk.f32 $0xffff, v2  }
0x2d: {  	(xrf0) =	vmax.scan.msk.f32 $0xffff, v4;
	_ =	sdelay $0x4  }
0x2e: {  	v50, _, _ =	vpop (xrf0)  }
0x2f: {  	(v2sf) =	vpush v50, $0xF;
	v51, _, _ =	vpop (xrf0)  }
0x30: {  	(v2sf) =	vpush v51, $0xF;
	_ =	sdelay $0xd  }
0x31: {  	s22 =	spop (v2sf)  }
0x32: {  	s23 =	spop (v2sf)  }
0x33: {  	s24 =	smax.f32 s22, s23  }
0x34: {  	vm1 =	veq.f32 v2, s24  }
0x35: {  	p0 =	sge.f32 s22, s23;
	vm8 =	veq.f32 v4, s24;
	v52 =	vmctz.xlane vm1  }
0x36: {  	vm2 =	vmmov vm0;
	v53 =	vmctz.xlane vm8  }
0x37: {  	vm2 =	vmneg @p0 vm2;
	vm9 =	veq.s32 v52, v3  }
0x38: {  	vm10 =	vne.s32 v53, v3;
	vm1 =	vmand vm9, vm2  }
0x39: {  	vm2 =	vmor vm10, vm2;
	v2 =	vsel vm1, $0xFF800000, v2  }
0x3a: {  	v4 =	vnsel vm2, $0xFF800000, v4;
	(xrf0) =	vmax.scan.msk.f32 $0xffff, v2  }
0x3b: {  	(xrf0) =	vmax.scan.msk.f32 $0xffff, v4;
	_ =	sdelay $0x4  }
0x3c: {  	v54, _, _ =	vpop (xrf0)  }
0x3d: {  	(v2sf) =	vpush v54, $0xF;
	v55, _, _ =	vpop (xrf0)  }
0x3e: {  	(v2sf) =	vpush v55, $0xF;
	_ =	sdelay $0x7  }
0x3f: {  	v56 =	vmov s6  }
0x40: {  	v0 =	vsub.f32 v0, v56  }
0x41: {  	v1 =	vsub.f32 v1, v56  }
0x42: {  	v0 =	vmul.f32 $1.442695020e+00, v0  }
0x43: {  	v1 =	vmul.f32 $1.442695020e+00, v1  }
0x44: {  	(erf) = vpow2.f32 v0  }
0x45: {  	(erf) = vpow2.f32 v1;
	s25 =	spop (v2sf)  }
0x46: {  	s26 =	spop (v2sf)  }
0x47: {  	s28 =	smax.f32 s25, s26  }
0x48: {  	vm1 =	veq.f32 v2, s28  }
0x49: {  	p0 =	sge.f32 s25, s26;
	vm11 =	veq.f32 v4, s28;
	v57 =	vmctz.xlane vm1  }
0x4a: {  	v58 =	vmctz.xlane vm11  }
0x4b: {  	vm0 =	vmneg @p0 vm0;
	vm12 =	veq.s32 v57, v3  }
0x4c: {  	vm14 =	veq.f32 v2, $-Inf;
	vm13 =	vne.s32 v58, v3;
	vm1 =	vmand vm12, vm0  }
0x4d: {  	v59 =	vpop (erf);
	vm15 =	vne.f32 v4, $-Inf;
	vm0 =	vmor vm13, vm0;
	vm1 =	vmor vm1, vm14  }
0x4e: {  	v60 =	vpop (erf);
	vm0 =	vmand vm0, vm15;
	v0 =	vnsel vm1, $0x0, v59  }
0x4f: {  	v1 =	vsel vm0, $0x0, v60;
	(xrf2) =	vadd.scan.msk.f32 $0xffff, v0  }
0x50: {  	(xrf2) =	vadd.scan.msk.f32 $0xffff, v1;
	_ =	sdelay $0x8  }
0x51: {  	v61, _, _ =	vpop (xrf2)  }
0x52: {  	(v2sf) =	vpush v61, $0xF;
	v62, _, _ =	vpop (xrf2)  }
0x53: {  	(v2sf) =	vpush v62, $0xF;
	_ =	sdelay $0xd  }
0x54: {  	s29 =	spop (v2sf)  }
0x55: {  	s30 =	spop (v2sf)  }
0x56: {  	s6 =	sadd.f32 s30, s29;
	_ =	sdelay $0x1  }
0x57: {  	v63 =	vmov s6  }
0x58: {  	(erf) = vrcp.f32 v63;
	_ =	sdelay $0x8  }
0x59: {  	v2 =	vpop (erf)  }
0x5a: {  	v0 =	vmul.f32 v2, v0  }
0x5b: {  	v1 =	vmul.f32 v2, v1  }
0x5c: {  	[tilespmem:$0x80] =	vst v0  }
0x5d: {  	s31 =	simm.s32 $0x80;
	s3 =	sadd.s32 s3, s5;
	[tilespmem:$0x90] =	vst v1  }
0x5e: {  	[hbm4b:s3+s2] =	stream.linear.scatter [tilespmem:s31], [sflag:$0x1], $0x80, $0x38;
	[tilespmem:$0x100] =	vst v63  }
0x5f: {  	_ =	swait.ge [sflag:s19], $0x80  }
0x60: {  	[sflag:s19] =	ssyncset.done $0x0  }
0x61: {  	[sflag:s19] =	ssyncadd.s32 $0xFFFFFF80  }
.LBB2_2:
0x62: {  	_ =	sfence.sel $0x180000  }
0x63: {  	[bflag:$0x0] =	sbarrier.arrive $0xFFFF  }
0x64: {  	p0 =	sne.s32 s1, $0x0;
	_ =	strace $0x90000047  }
0x65: {  	s0 =	sadd.s32 @!p0 $0x100000, s0;
	[bflag:$0x2] =	sbarrier.arrive $0xFFFF  }
0x66: {  	[sflag:s0] =	ssyncadd.tile.s32 @!p0 $0x1;
	_ =	shalt  }
.Lfunc_end2:
_tile_overlayer_lowered:
.L_overlay_start_2:
0x67: {  	(tag) =	ssettag $0x2  }
0x68: {  	s0 =	rddreg [dreg:$0x0];
	s2 =	stileid.u32  }
0x69: {  	s1 =	rddreg [dreg:$0x1];
	p0 =	sne.s32 s2, $0x0  }
0x6a: {  	s3 =	rddreg [dreg:$0x2];
	[bflag:$0x3] =	sbarrier.arrive $0xFFFF;
	s2 =	simm.s32 @!p0 $0x1C01  }
0x6b: {  	[timem:s3], [sflag:s2] =	dma.local @!p0 [hbm:s0], s1  }
0x6c: {  	s0 =	simm.s32 @!p0 $0x1  }
0x6d: {  	_ =	swait.ge @!p0 [sflag:s0], s1  }
0x6e: {  	s1 =	ssub.s32 @!p0 $0x0, s1;
	[sflag:s0] =	ssyncset.done @!p0 $0x0  }
0x6f: {  	[sflag:s0] =	ssyncadd.s32 @!p0 s1  }
0x70: {  	[bflag:$0x3] =	sbarrier.arrive $0xFFFF  }
0x71: {  	_ =	shalt  }

</sc_bundles>
